<compile_context>
chip_gen: v7x
topology: tpu7x:2x2x1
jax: 0.10.2.dev20260603
libtpu: 0.0.44.dev20260713+nightly
codegen_flags: <defaults>
</compile_context>

<pallas_src>
import jax
import jax.numpy as jnp
from jax import lax
from jax.experimental import pallas as pl
from jax.experimental.pallas import tpu as pltpu
from jax.experimental.pallas import tpu_sc as plsc

E_ENT = 100000
B = 128
CBLK = 25000
NC = 2
NS = 16
NW = NC * NS
RPW = B // NW


def _fill_body(out_ref):
    out_ref[...] = jnp.zeros((CBLK, B), jnp.float32)


def _sc_patch_body(x_hbm, o_ref, x_v, patch_v, sem):
    wid = lax.axis_index("c") * NS + lax.axis_index("s")
    pltpu.sync_copy(x_hbm, x_v.at[pl.ds(0, B)])
    cps = []
    for j in range(RPW):
        i = wid * RPW + j
        gbase = (i // 16) * 16
        gvec = x_v[pl.ds(gbase, 16)]
        xi = x_v[pl.ds(i, 16)][0]
        patch_v[j] = (gvec == xi).astype(jnp.float32)
        cp = pltpu.make_async_copy(
            patch_v.at[j],
            o_ref.at[xi, pl.ds(gbase, 16)],
            sem)
        cp.start()
        cps.append(cp)
    for cp in cps:
        cp.wait()


def kernel(input_x, input_r, e2triple, triple2e, r2triple, emb_table,
           W_ih, W_hh, b_ih, b_hh, W_lin, b_lin):
    x_i32 = input_x.astype(jnp.int32)
    zT = pl.pallas_call(
        _fill_body,
        grid=(E_ENT // CBLK,),
        out_specs=pl.BlockSpec((CBLK, B), lambda j: (j, 0)),
        out_shape=jax.ShapeDtypeStruct((E_ENT, B), jnp.float32),
    )()
    ref = jax.new_ref(zT)
    patch = pl.kernel(
        _sc_patch_body,
        out_type=(),
        mesh=plsc.VectorSubcoreMesh(core_axis_name="c", subcore_axis_name="s"),
        scratch_types=[
            pltpu.VMEM((B + 16,), jnp.int32),
            pltpu.VMEM((RPW, 16), jnp.float32),
            pltpu.SemaphoreType.DMA,
        ],
        compiler_params=pltpu.CompilerParams(needs_layout_passes=False),
    )
    patch(x_i32, ref)
    return ref[...].T

# --- scband reference (transcript-rebuilt; emitter-appended) ---
"""Pipeline reference for scband-model-72748156060318 (READ-ONLY COPY).

The authoritative reference and input builder live on the scoring server;
editing this copy changes nothing except your own understanding.
"""

import jax, jax.numpy as jnp
import numpy as np

E_ENT = 100000
N_TRIPLES = 1600000
N_REL = 500  # self.n = n - 1
EMB = 128
T = 0
B = 128


def setup_inputs(seed: int = 0) -> dict:
    key = jax.random.key(seed)
    ks = jax.random.split(key, 12)
    s = 1.0 / np.sqrt(EMB)
    inp = {}
    inp["input_x"] = jax.random.randint(ks[0], (B,), 0, E_ENT)
    inp["input_r"] = jax.random.randint(ks[1], (B,), 0, N_REL + 1)
    inp["e2triple"] = jax.random.randint(ks[2], (3, N_TRIPLES), 0, E_ENT)
    inp["triple2e"] = jax.random.randint(ks[3], (2, N_TRIPLES), 0, E_ENT)
    inp["r2triple"] = jax.random.randint(ks[4], (2, N_TRIPLES), 0, N_REL)
    inp["emb_table"] = jax.random.normal(ks[5], (N_REL + 1, EMB), jnp.float32)
    inp["W_ih"] = jax.random.uniform(ks[6], (4 * EMB, EMB), jnp.float32, -s, s)
    inp["W_hh"] = jax.random.uniform(ks[7], (4 * EMB, EMB), jnp.float32, -s, s)
    inp["b_ih"] = jax.random.uniform(ks[8], (4 * EMB,), jnp.float32, -s, s)
    inp["b_hh"] = jax.random.uniform(ks[9], (4 * EMB,), jnp.float32, -s, s)
    inp["W_lin"] = jax.random.uniform(ks[10], (N_REL, EMB), jnp.float32, -s, s)
    inp["b_lin"] = jax.random.uniform(ks[11], (N_REL,), jnp.float32, -s, s)
    return inp


def _forward(emb_table, W_ih, W_hh, b_ih, b_hh, W_lin, b_lin, input_x, input_r):
    B_ = input_x.shape[0]
    # sparse one-hot state x_ori_i: sparse [B, E, 1] -> dense [B, E]
    x_ori = jnp.zeros((B_, E_ENT), jnp.float32).at[jnp.arange(B_), input_x].set(1.0)
    # relation embeddings, stacked over T+1 steps, last step replaced by emb(self.n)
    input_emb_ori = jnp.take(emb_table, input_r, axis=0)
    input_emb = jnp.stack([input_emb_ori] * (T + 1), axis=1)
    input_emb = input_emb.at[:, -1, :].set(jnp.take(emb_table, jnp.full_like(input_r, N_REL), axis=0))
    # single-layer LSTM over seq len T+1 (torch gate order: i, f, g, o)
    h = jnp.zeros((B_, EMB), jnp.float32)
    c = jnp.zeros((B_, EMB), jnp.float32)
    outs = []
    for t in range(T + 1):
        xt = input_emb[:, t]
        gates = xt @ W_ih.T + b_ih + h @ W_hh.T + b_hh
        i_, f_, g_, o_ = jnp.split(gates, 4, axis=-1)
        c = jax.nn.sigmoid(f_) * c + jax.nn.sigmoid(i_) * jnp.tanh(g_)
        h = jax.nn.sigmoid(o_) * jnp.tanh(c)
        outs.append(h)
    rnn_outputs = jnp.stack(outs, axis=1)  # [B, T+1, EMB]
    # w_all computed as in the original forward (empty/unused when T == 0)
    w_all = rnn_outputs[:, :-1, :] @ W_lin.T + b_lin
    states = [x_ori]
    for t in range(T + 1):
        a = rnn_outputs[:, t]
        bmat = rnn_outputs[:, : t + 1]
        logits = jnp.einsum('bd,btd->bt', a, bmat)
        attention = jax.nn.softmax(logits, axis=-1)
        # match_att per previous state, then sparse sum over stacked states
        agg = jnp.zeros_like(states[0])
        for j, st in enumerate(states):
            agg = agg + st * attention[:, j][:, None]
        # with T == 0 the t < T branch (sparse relation propagation) is never taken
        s = agg
        states.append(s)
    # sum_sp: sum sparse [B, E, 1] over trailing dense dim -> dense [B, E]
    return states[-1]


def reference(input_x, input_r, e2triple, triple2e, r2triple, emb_table, W_ih, W_hh, b_ih, b_hh, W_lin, b_lin):
    # e2triple / triple2e / r2triple only participate in the t < T branch; with T == 0
    # they only define N = triple2e[1].shape[0], matching the original forward.
    N = triple2e[1].shape[0]
    assert N == N_TRIPLES
    return _forward(emb_table, W_ih, W_hh, b_ih, b_hh, W_lin, b_lin, input_x, input_r)

if __name__ == "__main__":
    import jax
    _d = setup_inputs()
    print(jax.jit(kernel)(*tuple(_d.values())))

</pallas_src>

<mosaic_0001>
#map = affine_map<(d0, d1) -> (0)>
#map1 = affine_map<(d0, d1) -> (0, 0)>
module attributes {stable_mosaic.version = 14 : i64} {
  func.func @new_body(%arg0: i32, %arg1: i32, %arg2: memref<128xi32, #tpu.memory_space<hbm>>, %arg3: memref<100000x128xf32, #tpu.memory_space<hbm>>, %arg4: memref<100000x128xf32, #tpu.memory_space<hbm>>, %arg5: memref<144xi32, #tpu.memory_space<vmem>>, %arg6: memref<4x16xf32, #tpu.memory_space<vmem>>, %arg7: memref<!tpu.dma_semaphore, #tpu.memory_space<semaphore_mem>>) attributes {dimension_semantics = [#tpu.dimension_semantics<core_parallel>, #tpu.dimension_semantics<subcore_parallel>], iteration_bounds = array<i64: 2, 16>, scalar_prefetch = 0 : i64, scratch_operands = 3 : i64, tpu.core_type = #tpu.core_type<sc_vector_subcore>, window_params = [{transform_indices = #map}, {transform_indices = #map1}, {transform_indices = #map1}]} {
    %mul3A = arith.constant 16 : i32
    %mul3A_0 = arith.muli %arg0, %mul3A : i32
    %add3A = arith.addi %mul3A_0, %arg1 : i32
    "tpu.region"() ({
      %run_scoped3A = tpu.sem_alloc : memref<!tpu.dma_semaphore, #tpu.memory_space<semaphore_mem>>
      %dma_start3A_249 = arith.constant 0 : i32
      %dma_start3A_250 = tpu.memref_slice %arg5[%dma_start3A_249] : memref<144xi32, #tpu.memory_space<vmem>> -> memref<128xi32, #tpu.memory_space<vmem>>
      %dma_start3A_251 = arith.constant 0 : i32
      %dma_start3A_252 = tpu.memref_slice %arg5[%dma_start3A_251] : memref<144xi32, #tpu.memory_space<vmem>> -> memref<128xi32, #tpu.memory_space<vmem>>
      tpu.enqueue_dma source(%arg2 : memref<128xi32, #tpu.memory_space<hbm>>) target(%dma_start3A_252 : memref<128xi32, #tpu.memory_space<vmem>>) target_semaphore(%run_scoped3A : memref<!tpu.dma_semaphore, #tpu.memory_space<semaphore_mem>>)
      %dma_wait3A_253 = arith.constant 0 : i32
      %dma_wait3A_254 = tpu.memref_slice %arg5[%dma_wait3A_253] : memref<144xi32, #tpu.memory_space<vmem>> -> memref<128xi32, #tpu.memory_space<vmem>>
      %dma_wait3A_255 = arith.constant 0 : i32
      %dma_wait3A_256 = tpu.memref_slice %arg5[%dma_wait3A_255] : memref<144xi32, #tpu.memory_space<vmem>> -> memref<128xi32, #tpu.memory_space<vmem>>
      tpu.wait_dma2 semaphore(%run_scoped3A : memref<!tpu.dma_semaphore, #tpu.memory_space<semaphore_mem>>) src(%arg2 : memref<128xi32, #tpu.memory_space<hbm>>) dst(%dma_wait3A_256 : memref<128xi32, #tpu.memory_space<vmem>>)
      tpu.yield
    }) : () -> ()
    %mul3A_1 = arith.constant 4 : i32
    %mul3A_2 = arith.muli %add3A, %mul3A_1 : i32
    %add3A_3 = arith.constant 0 : i32
    %add3A_4 = arith.addi %mul3A_2, %add3A_3 : i32
    %jit3A = arith.constant 16 : i32
    %div3A = arith.divsi %add3A_4, %jit3A : i32
    %sign3A = arith.constant 0 : i32
    %sign3A_5 = arith.cmpi sgt, %add3A_4, %sign3A : i32
    %sign3A_6 = arith.extui %sign3A_5 : i1 to i32
    %sign3A_7 = arith.constant 0 : i32
    %sign3A_8 = arith.cmpi slt, %add3A_4, %sign3A_7 : i32
    %sign3A_9 = arith.extui %sign3A_8 : i1 to i32
    %sign3A_10 = arith.subi %sign3A_6, %sign3A_9 : i32
    %sign3A_11 = arith.constant 0 : i32
    %sign3A_12 = arith.cmpi sgt, %jit3A, %sign3A_11 : i32
    %sign3A_13 = arith.extui %sign3A_12 : i1 to i32
    %sign3A_14 = arith.constant 0 : i32
    %sign3A_15 = arith.cmpi slt, %jit3A, %sign3A_14 : i32
    %sign3A_16 = arith.extui %sign3A_15 : i1 to i32
    %sign3A_17 = arith.subi %sign3A_13, %sign3A_16 : i32
    %ne3A = arith.cmpi ne, %sign3A_10, %sign3A_17 : i32
    %rem3A = arith.remsi %add3A_4, %jit3A : i32
    %ne3A_18 = arith.constant 0 : i32
    %ne3A_19 = arith.cmpi ne, %rem3A, %ne3A_18 : i32
    %and3A = arith.andi %ne3A, %ne3A_19 : i1
    %sub3A = arith.constant 1 : i32
    %sub3A_20 = arith.subi %div3A, %sub3A : i32
    %select_n3A = arith.select %and3A, %sub3A_20, %div3A : i32
    %mul3A_21 = arith.constant 16 : i32
    %mul3A_22 = arith.muli %select_n3A, %mul3A_21 : i32
    %get3A = arith.index_cast %mul3A_22 : i32 to index
    %get3A_23 = tpu.vector_load %arg5[%get3A] {strides = array<i32>} : memref<144xi32, #tpu.memory_space<vmem>>, vector<16xi32>,
    %get3A_24 = arith.index_cast %add3A_4 : i32 to index
    %get3A_25 = tpu.vector_load %arg5[%get3A_24] {strides = array<i32>} : memref<144xi32, #tpu.memory_space<vmem>>, vector<16xi32>,
    %slice3A = vector.extract_strided_slice %get3A_25 {offsets = [0], sizes = [1], strides = [1]} : vector<16xi32> to vector<1xi32>
    %squeeze3A = vector.extract %slice3A[0] : i32 from vector<1xi32>
    %eq3A = vector.broadcast %squeeze3A : i32 to vector<16xi32>
    %eq3A_26 = arith.cmpi eq, %get3A_23, %eq3A : vector<16xi32>
    %convert_element_type3A = arith.extui %eq3A_26 : vector<16xi1> to vector<16xi32>
    %convert_element_type3A_27 = arith.sitofp %convert_element_type3A : vector<16xi32> to vector<16xf32>
    %swap3A = arith.constant 0 : i32
    %swap3A_28 = arith.index_cast %swap3A : i32 to index
    %swap3A_29 = arith.constant 0 : index
    %swap3A_30 = tpu.vector_load %arg6[%swap3A_28, %swap3A_29] {strides = array<i32>} : memref<4x16xf32, #tpu.memory_space<vmem>>, vector<16xf32>,
    tpu.vector_store %arg6[%swap3A_28, %swap3A_29], %convert_element_type3A_27 {strides = array<i32>} : memref<4x16xf32, #tpu.memory_space<vmem>>, vector<16xf32>,
    %dma_start3A = arith.constant 0 : i32
    %dma_start3A_31 = arith.constant 0 : i32
    %dma_start3A_32 = tpu.memref_slice %arg6[%dma_start3A, %dma_start3A_31] : memref<4x16xf32, #tpu.memory_space<vmem>> -> memref<1x16xf32, #tpu.memory_space<vmem>>
    %dma_start3A_33 = tpu.memref_squeeze %dma_start3A_32 : memref<1x16xf32, #tpu.memory_space<vmem>> -> memref<16xf32, #tpu.memory_space<vmem>>
    %dma_start3A_34 = tpu.memref_slice %arg3[%squeeze3A, %mul3A_22] : memref<100000x128xf32, #tpu.memory_space<hbm>> -> memref<1x16xf32, #tpu.memory_space<hbm>>
    %dma_start3A_35 = tpu.memref_squeeze %dma_start3A_34 : memref<1x16xf32, #tpu.memory_space<hbm>> -> memref<16xf32, #tpu.memory_space<hbm>>
    %dma_start3A_36 = tpu.memref_slice %arg3[%squeeze3A, %mul3A_22] : memref<100000x128xf32, #tpu.memory_space<hbm>> -> memref<1x16xf32, #tpu.memory_space<hbm>>
    %dma_start3A_37 = tpu.memref_squeeze %dma_start3A_36 : memref<1x16xf32, #tpu.memory_space<hbm>> -> memref<16xf32, #tpu.memory_space<hbm>>
    %dma_start3A_38 = arith.constant 0 : i32
    %dma_start3A_39 = tpu.memref_slice %arg6[%dma_start3A, %dma_start3A_38] : memref<4x16xf32, #tpu.memory_space<vmem>> -> memref<1x16xf32, #tpu.memory_space<vmem>>
    %dma_start3A_40 = tpu.memref_squeeze %dma_start3A_39 : memref<1x16xf32, #tpu.memory_space<vmem>> -> memref<16xf32, #tpu.memory_space<vmem>>
    tpu.enqueue_dma source(%dma_start3A_40 : memref<16xf32, #tpu.memory_space<vmem>>) target(%dma_start3A_37 : memref<16xf32, #tpu.memory_space<hbm>>) target_semaphore(%arg7 : memref<!tpu.dma_semaphore, #tpu.memory_space<semaphore_mem>>)
    %mul3A_41 = arith.constant 4 : i32
    %mul3A_42 = arith.muli %add3A, %mul3A_41 : i32
    %add3A_43 = arith.constant 1 : i32
    %add3A_44 = arith.addi %mul3A_42, %add3A_43 : i32
    %jit3A_45 = arith.constant 16 : i32
    %div3A_46 = arith.divsi %add3A_44, %jit3A_45 : i32
    %sign3A_47 = arith.constant 0 : i32
    %sign3A_48 = arith.cmpi sgt, %add3A_44, %sign3A_47 : i32
    %sign3A_49 = arith.extui %sign3A_48 : i1 to i32
    %sign3A_50 = arith.constant 0 : i32
    %sign3A_51 = arith.cmpi slt, %add3A_44, %sign3A_50 : i32
    %sign3A_52 = arith.extui %sign3A_51 : i1 to i32
    %sign3A_53 = arith.subi %sign3A_49, %sign3A_52 : i32
    %sign3A_54 = arith.constant 0 : i32
    %sign3A_55 = arith.cmpi sgt, %jit3A_45, %sign3A_54 : i32
    %sign3A_56 = arith.extui %sign3A_55 : i1 to i32
    %sign3A_57 = arith.constant 0 : i32
    %sign3A_58 = arith.cmpi slt, %jit3A_45, %sign3A_57 : i32
    %sign3A_59 = arith.extui %sign3A_58 : i1 to i32
    %sign3A_60 = arith.subi %sign3A_56, %sign3A_59 : i32
    %ne3A_61 = arith.cmpi ne, %sign3A_53, %sign3A_60 : i32
    %rem3A_62 = arith.remsi %add3A_44, %jit3A_45 : i32
    %ne3A_63 = arith.constant 0 : i32
    %ne3A_64 = arith.cmpi ne, %rem3A_62, %ne3A_63 : i32
    %and3A_65 = arith.andi %ne3A_61, %ne3A_64 : i1
    %sub3A_66 = arith.constant 1 : i32
    %sub3A_67 = arith.subi %div3A_46, %sub3A_66 : i32
    %select_n3A_68 = arith.select %and3A_65, %sub3A_67, %div3A_46 : i32
    %mul3A_69 = arith.constant 16 : i32
    %mul3A_70 = arith.muli %select_n3A_68, %mul3A_69 : i32
    %get3A_71 = arith.index_cast %mul3A_70 : i32 to index
    %get3A_72 = tpu.vector_load %arg5[%get3A_71] {strides = array<i32>} : memref<144xi32, #tpu.memory_space<vmem>>, vector<16xi32>,
    %get3A_73 = arith.index_cast %add3A_44 : i32 to index
    %get3A_74 = tpu.vector_load %arg5[%get3A_73] {strides = array<i32>} : memref<144xi32, #tpu.memory_space<vmem>>, vector<16xi32>,
    %slice3A_75 = vector.extract_strided_slice %get3A_74 {offsets = [0], sizes = [1], strides = [1]} : vector<16xi32> to vector<1xi32>
    %squeeze3A_76 = vector.extract %slice3A_75[0] : i32 from vector<1xi32>
    %eq3A_77 = vector.broadcast %squeeze3A_76 : i32 to vector<16xi32>
    %eq3A_78 = arith.cmpi eq, %get3A_72, %eq3A_77 : vector<16xi32>
    %convert_element_type3A_79 = arith.extui %eq3A_78 : vector<16xi1> to vector<16xi32>
    %convert_element_type3A_80 = arith.sitofp %convert_element_type3A_79 : vector<16xi32> to vector<16xf32>
    %swap3A_81 = arith.constant 1 : i32
    %swap3A_82 = arith.index_cast %swap3A_81 : i32 to index
    %swap3A_83 = arith.constant 0 : index
    %swap3A_84 = tpu.vector_load %arg6[%swap3A_82, %swap3A_83] {strides = array<i32>} : memref<4x16xf32, #tpu.memory_space<vmem>>, vector<16xf32>,
    tpu.vector_store %arg6[%swap3A_82, %swap3A_83], %convert_element_type3A_80 {strides = array<i32>} : memref<4x16xf32, #tpu.memory_space<vmem>>, vector<16xf32>,
    %dma_start3A_85 = arith.constant 1 : i32
    %dma_start3A_86 = arith.constant 0 : i32
    %dma_start3A_87 = tpu.memref_slice %arg6[%dma_start3A_85, %dma_start3A_86] : memref<4x16xf32, #tpu.memory_space<vmem>> -> memref<1x16xf32, #tpu.memory_space<vmem>>
    %dma_start3A_88 = tpu.memref_squeeze %dma_start3A_87 : memref<1x16xf32, #tpu.memory_space<vmem>> -> memref<16xf32, #tpu.memory_space<vmem>>
    %dma_start3A_89 = tpu.memref_slice %arg3[%squeeze3A_76, %mul3A_70] : memref<100000x128xf32, #tpu.memory_space<hbm>> -> memref<1x16xf32, #tpu.memory_space<hbm>>
    %dma_start3A_90 = tpu.memref_squeeze %dma_start3A_89 : memref<1x16xf32, #tpu.memory_space<hbm>> -> memref<16xf32, #tpu.memory_space<hbm>>
    %dma_start3A_91 = tpu.memref_slice %arg3[%squeeze3A_76, %mul3A_70] : memref<100000x128xf32, #tpu.memory_space<hbm>> -> memref<1x16xf32, #tpu.memory_space<hbm>>
    %dma_start3A_92 = tpu.memref_squeeze %dma_start3A_91 : memref<1x16xf32, #tpu.memory_space<hbm>> -> memref<16xf32, #tpu.memory_space<hbm>>
    %dma_start3A_93 = arith.constant 0 : i32
    %dma_start3A_94 = tpu.memref_slice %arg6[%dma_start3A_85, %dma_start3A_93] : memref<4x16xf32, #tpu.memory_space<vmem>> -> memref<1x16xf32, #tpu.memory_space<vmem>>
    %dma_start3A_95 = tpu.memref_squeeze %dma_start3A_94 : memref<1x16xf32, #tpu.memory_space<vmem>> -> memref<16xf32, #tpu.memory_space<vmem>>
    tpu.enqueue_dma source(%dma_start3A_95 : memref<16xf32, #tpu.memory_space<vmem>>) target(%dma_start3A_92 : memref<16xf32, #tpu.memory_space<hbm>>) target_semaphore(%arg7 : memref<!tpu.dma_semaphore, #tpu.memory_space<semaphore_mem>>)
    %mul3A_96 = arith.constant 4 : i32
    %mul3A_97 = arith.muli %add3A, %mul3A_96 : i32
    %add3A_98 = arith.constant 2 : i32
    %add3A_99 = arith.addi %mul3A_97, %add3A_98 : i32
    %jit3A_100 = arith.constant 16 : i32
    %div3A_101 = arith.divsi %add3A_99, %jit3A_100 : i32
    %sign3A_102 = arith.constant 0 : i32
    %sign3A_103 = arith.cmpi sgt, %add3A_99, %sign3A_102 : i32
    %sign3A_104 = arith.extui %sign3A_103 : i1 to i32
    %sign3A_105 = arith.constant 0 : i32
    %sign3A_106 = arith.cmpi slt, %add3A_99, %sign3A_105 : i32
    %sign3A_107 = arith.extui %sign3A_106 : i1 to i32
    %sign3A_108 = arith.subi %sign3A_104, %sign3A_107 : i32
    %sign3A_109 = arith.constant 0 : i32
    %sign3A_110 = arith.cmpi sgt, %jit3A_100, %sign3A_109 : i32
    %sign3A_111 = arith.extui %sign3A_110 : i1 to i32
    %sign3A_112 = arith.constant 0 : i32
    %sign3A_113 = arith.cmpi slt, %jit3A_100, %sign3A_112 : i32
    %sign3A_114 = arith.extui %sign3A_113 : i1 to i32
    %sign3A_115 = arith.subi %sign3A_111, %sign3A_114 : i32
    %ne3A_116 = arith.cmpi ne, %sign3A_108, %sign3A_115 : i32
    %rem3A_117 = arith.remsi %add3A_99, %jit3A_100 : i32
    %ne3A_118 = arith.constant 0 : i32
    %ne3A_119 = arith.cmpi ne, %rem3A_117, %ne3A_118 : i32
    %and3A_120 = arith.andi %ne3A_116, %ne3A_119 : i1
    %sub3A_121 = arith.constant 1 : i32
    %sub3A_122 = arith.subi %div3A_101, %sub3A_121 : i32
    %select_n3A_123 = arith.select %and3A_120, %sub3A_122, %div3A_101 : i32
    %mul3A_124 = arith.constant 16 : i32
    %mul3A_125 = arith.muli %select_n3A_123, %mul3A_124 : i32
    %get3A_126 = arith.index_cast %mul3A_125 : i32 to index
    %get3A_127 = tpu.vector_load %arg5[%get3A_126] {strides = array<i32>} : memref<144xi32, #tpu.memory_space<vmem>>, vector<16xi32>,
    %get3A_128 = arith.index_cast %add3A_99 : i32 to index
    %get3A_129 = tpu.vector_load %arg5[%get3A_128] {strides = array<i32>} : memref<144xi32, #tpu.memory_space<vmem>>, vector<16xi32>,
    %slice3A_130 = vector.extract_strided_slice %get3A_129 {offsets = [0], sizes = [1], strides = [1]} : vector<16xi32> to vector<1xi32>
    %squeeze3A_131 = vector.extract %slice3A_130[0] : i32 from vector<1xi32>
    %eq3A_132 = vector.broadcast %squeeze3A_131 : i32 to vector<16xi32>
    %eq3A_133 = arith.cmpi eq, %get3A_127, %eq3A_132 : vector<16xi32>
    %convert_element_type3A_134 = arith.extui %eq3A_133 : vector<16xi1> to vector<16xi32>
    %convert_element_type3A_135 = arith.sitofp %convert_element_type3A_134 : vector<16xi32> to vector<16xf32>
    %swap3A_136 = arith.constant 2 : i32
    %swap3A_137 = arith.index_cast %swap3A_136 : i32 to index
    %swap3A_138 = arith.constant 0 : index
    %swap3A_139 = tpu.vector_load %arg6[%swap3A_137, %swap3A_138] {strides = array<i32>} : memref<4x16xf32, #tpu.memory_space<vmem>>, vector<16xf32>,
    tpu.vector_store %arg6[%swap3A_137, %swap3A_138], %convert_element_type3A_135 {strides = array<i32>} : memref<4x16xf32, #tpu.memory_space<vmem>>, vector<16xf32>,
    %dma_start3A_140 = arith.constant 2 : i32
    %dma_start3A_141 = arith.constant 0 : i32
    %dma_start3A_142 = tpu.memref_slice %arg6[%dma_start3A_140, %dma_start3A_141] : memref<4x16xf32, #tpu.memory_space<vmem>> -> memref<1x16xf32, #tpu.memory_space<vmem>>
    %dma_start3A_143 = tpu.memref_squeeze %dma_start3A_142 : memref<1x16xf32, #tpu.memory_space<vmem>> -> memref<16xf32, #tpu.memory_space<vmem>>
    %dma_start3A_144 = tpu.memref_slice %arg3[%squeeze3A_131, %mul3A_125] : memref<100000x128xf32, #tpu.memory_space<hbm>> -> memref<1x16xf32, #tpu.memory_space<hbm>>
    %dma_start3A_145 = tpu.memref_squeeze %dma_start3A_144 : memref<1x16xf32, #tpu.memory_space<hbm>> -> memref<16xf32, #tpu.memory_space<hbm>>
    %dma_start3A_146 = tpu.memref_slice %arg3[%squeeze3A_131, %mul3A_125] : memref<100000x128xf32, #tpu.memory_space<hbm>> -> memref<1x16xf32, #tpu.memory_space<hbm>>
    %dma_start3A_147 = tpu.memref_squeeze %dma_start3A_146 : memref<1x16xf32, #tpu.memory_space<hbm>> -> memref<16xf32, #tpu.memory_space<hbm>>
    %dma_start3A_148 = arith.constant 0 : i32
    %dma_start3A_149 = tpu.memref_slice %arg6[%dma_start3A_140, %dma_start3A_148] : memref<4x16xf32, #tpu.memory_space<vmem>> -> memref<1x16xf32, #tpu.memory_space<vmem>>
    %dma_start3A_150 = tpu.memref_squeeze %dma_start3A_149 : memref<1x16xf32, #tpu.memory_space<vmem>> -> memref<16xf32, #tpu.memory_space<vmem>>
    tpu.enqueue_dma source(%dma_start3A_150 : memref<16xf32, #tpu.memory_space<vmem>>) target(%dma_start3A_147 : memref<16xf32, #tpu.memory_space<hbm>>) target_semaphore(%arg7 : memref<!tpu.dma_semaphore, #tpu.memory_space<semaphore_mem>>)
    %mul3A_151 = arith.constant 4 : i32
    %mul3A_152 = arith.muli %add3A, %mul3A_151 : i32
    %add3A_153 = arith.constant 3 : i32
    %add3A_154 = arith.addi %mul3A_152, %add3A_153 : i32
    %jit3A_155 = arith.constant 16 : i32
    %div3A_156 = arith.divsi %add3A_154, %jit3A_155 : i32
    %sign3A_157 = arith.constant 0 : i32
    %sign3A_158 = arith.cmpi sgt, %add3A_154, %sign3A_157 : i32
    %sign3A_159 = arith.extui %sign3A_158 : i1 to i32
    %sign3A_160 = arith.constant 0 : i32
    %sign3A_161 = arith.cmpi slt, %add3A_154, %sign3A_160 : i32
    %sign3A_162 = arith.extui %sign3A_161 : i1 to i32
    %sign3A_163 = arith.subi %sign3A_159, %sign3A_162 : i32
    %sign3A_164 = arith.constant 0 : i32
    %sign3A_165 = arith.cmpi sgt, %jit3A_155, %sign3A_164 : i32
    %sign3A_166 = arith.extui %sign3A_165 : i1 to i32
    %sign3A_167 = arith.constant 0 : i32
    %sign3A_168 = arith.cmpi slt, %jit3A_155, %sign3A_167 : i32
    %sign3A_169 = arith.extui %sign3A_168 : i1 to i32
    %sign3A_170 = arith.subi %sign3A_166, %sign3A_169 : i32
    %ne3A_171 = arith.cmpi ne, %sign3A_163, %sign3A_170 : i32
    %rem3A_172 = arith.remsi %add3A_154, %jit3A_155 : i32
    %ne3A_173 = arith.constant 0 : i32
    %ne3A_174 = arith.cmpi ne, %rem3A_172, %ne3A_173 : i32
    %and3A_175 = arith.andi %ne3A_171, %ne3A_174 : i1
    %sub3A_176 = arith.constant 1 : i32
    %sub3A_177 = arith.subi %div3A_156, %sub3A_176 : i32
    %select_n3A_178 = arith.select %and3A_175, %sub3A_177, %div3A_156 : i32
    %mul3A_179 = arith.constant 16 : i32
    %mul3A_180 = arith.muli %select_n3A_178, %mul3A_179 : i32
    %get3A_181 = arith.index_cast %mul3A_180 : i32 to index
    %get3A_182 = tpu.vector_load %arg5[%get3A_181] {strides = array<i32>} : memref<144xi32, #tpu.memory_space<vmem>>, vector<16xi32>,
    %get3A_183 = arith.index_cast %add3A_154 : i32 to index
    %get3A_184 = tpu.vector_load %arg5[%get3A_183] {strides = array<i32>} : memref<144xi32, #tpu.memory_space<vmem>>, vector<16xi32>,
    %slice3A_185 = vector.extract_strided_slice %get3A_184 {offsets = [0], sizes = [1], strides = [1]} : vector<16xi32> to vector<1xi32>
    %squeeze3A_186 = vector.extract %slice3A_185[0] : i32 from vector<1xi32>
    %eq3A_187 = vector.broadcast %squeeze3A_186 : i32 to vector<16xi32>
    %eq3A_188 = arith.cmpi eq, %get3A_182, %eq3A_187 : vector<16xi32>
    %convert_element_type3A_189 = arith.extui %eq3A_188 : vector<16xi1> to vector<16xi32>
    %convert_element_type3A_190 = arith.sitofp %convert_element_type3A_189 : vector<16xi32> to vector<16xf32>
    %swap3A_191 = arith.constant 3 : i32
    %swap3A_192 = arith.index_cast %swap3A_191 : i32 to index
    %swap3A_193 = arith.constant 0 : index
    %swap3A_194 = tpu.vector_load %arg6[%swap3A_192, %swap3A_193] {strides = array<i32>} : memref<4x16xf32, #tpu.memory_space<vmem>>, vector<16xf32>,
    tpu.vector_store %arg6[%swap3A_192, %swap3A_193], %convert_element_type3A_190 {strides = array<i32>} : memref<4x16xf32, #tpu.memory_space<vmem>>, vector<16xf32>,
    %dma_start3A_195 = arith.constant 3 : i32
    %dma_start3A_196 = arith.constant 0 : i32
    %dma_start3A_197 = tpu.memref_slice %arg6[%dma_start3A_195, %dma_start3A_196] : memref<4x16xf32, #tpu.memory_space<vmem>> -> memref<1x16xf32, #tpu.memory_space<vmem>>
    %dma_start3A_198 = tpu.memref_squeeze %dma_start3A_197 : memref<1x16xf32, #tpu.memory_space<vmem>> -> memref<16xf32, #tpu.memory_space<vmem>>
    %dma_start3A_199 = tpu.memref_slice %arg3[%squeeze3A_186, %mul3A_180] : memref<100000x128xf32, #tpu.memory_space<hbm>> -> memref<1x16xf32, #tpu.memory_space<hbm>>
    %dma_start3A_200 = tpu.memref_squeeze %dma_start3A_199 : memref<1x16xf32, #tpu.memory_space<hbm>> -> memref<16xf32, #tpu.memory_space<hbm>>
    %dma_start3A_201 = tpu.memref_slice %arg3[%squeeze3A_186, %mul3A_180] : memref<100000x128xf32, #tpu.memory_space<hbm>> -> memref<1x16xf32, #tpu.memory_space<hbm>>
    %dma_start3A_202 = tpu.memref_squeeze %dma_start3A_201 : memref<1x16xf32, #tpu.memory_space<hbm>> -> memref<16xf32, #tpu.memory_space<hbm>>
    %dma_start3A_203 = arith.constant 0 : i32
    %dma_start3A_204 = tpu.memref_slice %arg6[%dma_start3A_195, %dma_start3A_203] : memref<4x16xf32, #tpu.memory_space<vmem>> -> memref<1x16xf32, #tpu.memory_space<vmem>>
    %dma_start3A_205 = tpu.memref_squeeze %dma_start3A_204 : memref<1x16xf32, #tpu.memory_space<vmem>> -> memref<16xf32, #tpu.memory_space<vmem>>
    tpu.enqueue_dma source(%dma_start3A_205 : memref<16xf32, #tpu.memory_space<vmem>>) target(%dma_start3A_202 : memref<16xf32, #tpu.memory_space<hbm>>) target_semaphore(%arg7 : memref<!tpu.dma_semaphore, #tpu.memory_space<semaphore_mem>>)
    %dma_wait3A = arith.constant 0 : i32
    %dma_wait3A_206 = arith.constant 0 : i32
    %dma_wait3A_207 = tpu.memref_slice %arg6[%dma_wait3A, %dma_wait3A_206] : memref<4x16xf32, #tpu.memory_space<vmem>> -> memref<1x16xf32, #tpu.memory_space<vmem>>
    %dma_wait3A_208 = tpu.memref_squeeze %dma_wait3A_207 : memref<1x16xf32, #tpu.memory_space<vmem>> -> memref<16xf32, #tpu.memory_space<vmem>>
    %dma_wait3A_209 = tpu.memref_slice %arg3[%squeeze3A, %mul3A_22] : memref<100000x128xf32, #tpu.memory_space<hbm>> -> memref<1x16xf32, #tpu.memory_space<hbm>>
    %dma_wait3A_210 = tpu.memref_squeeze %dma_wait3A_209 : memref<1x16xf32, #tpu.memory_space<hbm>> -> memref<16xf32, #tpu.memory_space<hbm>>
    %dma_wait3A_211 = tpu.memref_slice %arg3[%squeeze3A, %mul3A_22] : memref<100000x128xf32, #tpu.memory_space<hbm>> -> memref<1x16xf32, #tpu.memory_space<hbm>>
    %dma_wait3A_212 = tpu.memref_squeeze %dma_wait3A_211 : memref<1x16xf32, #tpu.memory_space<hbm>> -> memref<16xf32, #tpu.memory_space<hbm>>
    %dma_wait3A_213 = arith.constant 0 : i32
    %dma_wait3A_214 = tpu.memref_slice %arg6[%dma_wait3A, %dma_wait3A_213] : memref<4x16xf32, #tpu.memory_space<vmem>> -> memref<1x16xf32, #tpu.memory_space<vmem>>
    %dma_wait3A_215 = tpu.memref_squeeze %dma_wait3A_214 : memref<1x16xf32, #tpu.memory_space<vmem>> -> memref<16xf32, #tpu.memory_space<vmem>>
    tpu.wait_dma2 semaphore(%arg7 : memref<!tpu.dma_semaphore, #tpu.memory_space<semaphore_mem>>) src(%dma_wait3A_215 : memref<16xf32, #tpu.memory_space<vmem>>) dst(%dma_wait3A_212 : memref<16xf32, #tpu.memory_space<hbm>>)
    %dma_wait3A_216 = arith.constant 1 : i32
    %dma_wait3A_217 = arith.constant 0 : i32
    %dma_wait3A_218 = tpu.memref_slice %arg6[%dma_wait3A_216, %dma_wait3A_217] : memref<4x16xf32, #tpu.memory_space<vmem>> -> memref<1x16xf32, #tpu.memory_space<vmem>>
    %dma_wait3A_219 = tpu.memref_squeeze %dma_wait3A_218 : memref<1x16xf32, #tpu.memory_space<vmem>> -> memref<16xf32, #tpu.memory_space<vmem>>
    %dma_wait3A_220 = tpu.memref_slice %arg3[%squeeze3A_76, %mul3A_70] : memref<100000x128xf32, #tpu.memory_space<hbm>> -> memref<1x16xf32, #tpu.memory_space<hbm>>
    %dma_wait3A_221 = tpu.memref_squeeze %dma_wait3A_220 : memref<1x16xf32, #tpu.memory_space<hbm>> -> memref<16xf32, #tpu.memory_space<hbm>>
    %dma_wait3A_222 = tpu.memref_slice %arg3[%squeeze3A_76, %mul3A_70] : memref<100000x128xf32, #tpu.memory_space<hbm>> -> memref<1x16xf32, #tpu.memory_space<hbm>>
    %dma_wait3A_223 = tpu.memref_squeeze %dma_wait3A_222 : memref<1x16xf32, #tpu.memory_space<hbm>> -> memref<16xf32, #tpu.memory_space<hbm>>
    %dma_wait3A_224 = arith.constant 0 : i32
    %dma_wait3A_225 = tpu.memref_slice %arg6[%dma_wait3A_216, %dma_wait3A_224] : memref<4x16xf32, #tpu.memory_space<vmem>> -> memref<1x16xf32, #tpu.memory_space<vmem>>
    %dma_wait3A_226 = tpu.memref_squeeze %dma_wait3A_225 : memref<1x16xf32, #tpu.memory_space<vmem>> -> memref<16xf32, #tpu.memory_space<vmem>>
    tpu.wait_dma2 semaphore(%arg7 : memref<!tpu.dma_semaphore, #tpu.memory_space<semaphore_mem>>) src(%dma_wait3A_226 : memref<16xf32, #tpu.memory_space<vmem>>) dst(%dma_wait3A_223 : memref<16xf32, #tpu.memory_space<hbm>>)
    %dma_wait3A_227 = arith.constant 2 : i32
    %dma_wait3A_228 = arith.constant 0 : i32
    %dma_wait3A_229 = tpu.memref_slice %arg6[%dma_wait3A_227, %dma_wait3A_228] : memref<4x16xf32, #tpu.memory_space<vmem>> -> memref<1x16xf32, #tpu.memory_space<vmem>>
    %dma_wait3A_230 = tpu.memref_squeeze %dma_wait3A_229 : memref<1x16xf32, #tpu.memory_space<vmem>> -> memref<16xf32, #tpu.memory_space<vmem>>
    %dma_wait3A_231 = tpu.memref_slice %arg3[%squeeze3A_131, %mul3A_125] : memref<100000x128xf32, #tpu.memory_space<hbm>> -> memref<1x16xf32, #tpu.memory_space<hbm>>
    %dma_wait3A_232 = tpu.memref_squeeze %dma_wait3A_231 : memref<1x16xf32, #tpu.memory_space<hbm>> -> memref<16xf32, #tpu.memory_space<hbm>>
    %dma_wait3A_233 = tpu.memref_slice %arg3[%squeeze3A_131, %mul3A_125] : memref<100000x128xf32, #tpu.memory_space<hbm>> -> memref<1x16xf32, #tpu.memory_space<hbm>>
    %dma_wait3A_234 = tpu.memref_squeeze %dma_wait3A_233 : memref<1x16xf32, #tpu.memory_space<hbm>> -> memref<16xf32, #tpu.memory_space<hbm>>
    %dma_wait3A_235 = arith.constant 0 : i32
    %dma_wait3A_236 = tpu.memref_slice %arg6[%dma_wait3A_227, %dma_wait3A_235] : memref<4x16xf32, #tpu.memory_space<vmem>> -> memref<1x16xf32, #tpu.memory_space<vmem>>
    %dma_wait3A_237 = tpu.memref_squeeze %dma_wait3A_236 : memref<1x16xf32, #tpu.memory_space<vmem>> -> memref<16xf32, #tpu.memory_space<vmem>>
    tpu.wait_dma2 semaphore(%arg7 : memref<!tpu.dma_semaphore, #tpu.memory_space<semaphore_mem>>) src(%dma_wait3A_237 : memref<16xf32, #tpu.memory_space<vmem>>) dst(%dma_wait3A_234 : memref<16xf32, #tpu.memory_space<hbm>>)
    %dma_wait3A_238 = arith.constant 3 : i32
    %dma_wait3A_239 = arith.constant 0 : i32
    %dma_wait3A_240 = tpu.memref_slice %arg6[%dma_wait3A_238, %dma_wait3A_239] : memref<4x16xf32, #tpu.memory_space<vmem>> -> memref<1x16xf32, #tpu.memory_space<vmem>>
    %dma_wait3A_241 = tpu.memref_squeeze %dma_wait3A_240 : memref<1x16xf32, #tpu.memory_space<vmem>> -> memref<16xf32, #tpu.memory_space<vmem>>
    %dma_wait3A_242 = tpu.memref_slice %arg3[%squeeze3A_186, %mul3A_180] : memref<100000x128xf32, #tpu.memory_space<hbm>> -> memref<1x16xf32, #tpu.memory_space<hbm>>
    %dma_wait3A_243 = tpu.memref_squeeze %dma_wait3A_242 : memref<1x16xf32, #tpu.memory_space<hbm>> -> memref<16xf32, #tpu.memory_space<hbm>>
    %dma_wait3A_244 = tpu.memref_slice %arg3[%squeeze3A_186, %mul3A_180] : memref<100000x128xf32, #tpu.memory_space<hbm>> -> memref<1x16xf32, #tpu.memory_space<hbm>>
    %dma_wait3A_245 = tpu.memref_squeeze %dma_wait3A_244 : memref<1x16xf32, #tpu.memory_space<hbm>> -> memref<16xf32, #tpu.memory_space<hbm>>
    %dma_wait3A_246 = arith.constant 0 : i32
    %dma_wait3A_247 = tpu.memref_slice %arg6[%dma_wait3A_238, %dma_wait3A_246] : memref<4x16xf32, #tpu.memory_space<vmem>> -> memref<1x16xf32, #tpu.memory_space<vmem>>
    %dma_wait3A_248 = tpu.memref_squeeze %dma_wait3A_247 : memref<1x16xf32, #tpu.memory_space<vmem>> -> memref<16xf32, #tpu.memory_space<vmem>>
    tpu.wait_dma2 semaphore(%arg7 : memref<!tpu.dma_semaphore, #tpu.memory_space<semaphore_mem>>) src(%dma_wait3A_248 : memref<16xf32, #tpu.memory_space<vmem>>) dst(%dma_wait3A_245 : memref<16xf32, #tpu.memory_space<hbm>>)
    return
  }
}

module attributes {stable_mosaic.version = 14 : i64} {
  func.func @_fill_body(%arg0: i32, %arg1: memref<25000x128xf32, #tpu.memory_space<vmem>>) attributes {dimension_semantics = [#tpu.dimension_semantics<arbitrary>], iteration_bounds = array<i64: 4>, scalar_prefetch = 0 : i64, scratch_operands = 0 : i64, tpu.core_type = #tpu.core_type<tc>, window_params = [{transform_indices = @transform_0, window_bounds = array<i64: 25000, 128>}]} {
    %broadcast_in_dim3A = arith.constant 0.000000e+00 : f32
    %broadcast_in_dim3A_0 = vector.broadcast %broadcast_in_dim3A : f32 to vector<25000x128xf32>
    %swap3A = arith.constant 0 : index
    %swap3A_1 = arith.constant 0 : index
    %swap3A_2 = vector.load %arg1[%swap3A, %swap3A_1] : memref<25000x128xf32, #tpu.memory_space<vmem>>, vector<25000x128xf32>
    tpu.vector_store %arg1[%swap3A, %swap3A_1], %broadcast_in_dim3A_0 {strides = array<i32>} : memref<25000x128xf32, #tpu.memory_space<vmem>>, vector<25000x128xf32>,
    return
  }
  func.func @transform_0(%arg0: i32) -> (i32, i32) {
    %c0_i32 = arith.constant 0 : i32
    %c0_i32_0 = arith.constant 0 : i32
    return %arg0, %c0_i32 : i32, i32
  }
}

</mosaic_0001>

<sc_bundles>
// kernel: kernel.4.cloned.1.call-start
scs
__scs_entry_jumppad:
0x0: {  	(pc) =	sbr.rel $0x88, $3  }
0x1: {  	(tag) =	ssettag $0x0;
	lr =	simm.s32 $0x1  }
0x2: {  	[smem:$0x3FA0] =	sst lr;
	_ =	strace $0xD0000000  }
0x3: {  	_ = 	snop  }
0x4: {  	_ = 	snop  }
0x5: {  	_ = 	snop  }
0x6: {  	_ = 	snop  }
0x7: {  	_ = 	snop  }
__scs_overlays_trampoline_lowered:
0x8: {  	[smem:$0x3FAF] =	sst s0  }
0x9: {  	[smem:$0x3FB0] =	sst s1  }
0xa: {  	[smem:$0x3FB1] =	sst s2  }
0xb: {  	[smem:$0x3FB2] =	sst s3  }
0xc: {  	[smem:$0x3FB3] =	sst s4  }
0xd: {  	[smem:$0x3FB4] =	sst s5  }
0xe: {  	[smem:$0x3FB5] =	sst s6  }
0xf: {  	[smem:$0x3FB6] =	sst s7  }
0x10: {  	[smem:$0x3FB7] =	sst s8  }
0x11: {  	[smem:$0x3FB8] =	sst s9;
	s0 =	simm.s32 @!p0 $0x0  }
0x12: {  	s1 =	sld [smem:$0x3F9E];
	s0 =	simm.s32 @p0 $0x1  }
0x13: {  	[smem:$0x3FB9] =	sst s0;
	s0 =	simm.s32 @!p1 $0x0  }
0x14: {  	s2 =	sld [smem:$0x3F9D];
	s0 =	simm.s32 @p1 $0x1  }
0x15: {  	[smem:$0x3FBA] =	sst s0;
	s0 =	simm.s32 @!p2 $0x0  }
0x16: {  	s3 =	sld [smem:$0x3FDB];
	s0 =	simm.s32 @p2 $0x1  }
0x17: {  	s4 =	simm.s32 $0x1BF5;
	[smem:$0x3FBC] =	sst s0  }
0x18: {  	s0 =	sld [smem:$0x3F9F];
	_ =	swait.ge [sflag:s4], $0x0  }
0x19: {  	s7 =	sld [smem:$0x3FA0]  }
0x1a: {  	s8 =	sadd.s32 $0xFFFFE003, lr  }
0x1b: {  	s9 =	sadd.s32 $0xFFFFFEF7, lr;
	s5 =	simm.s32 $0xFFFFFFFF;
	p2 =	slt.u32 s8, $0xFFFFF086  }
0x1c: {  	p1 =	slt.u32 s9, $0xF7A;
	s5 =	simm.s32 @!p2 $0x0  }
0x1d: {  	s5 =	simm.s32 @p1 $0x1;
	p0 =	seq.s32 s7, s2  }
0x1e: {  	s7 =	smul.u32 @!p0 $0xF7A, s2;
	p2 =	seq.s32 @!p0 s5, $0x0  }
0x1f: {  	s9 =	smul.u32 $0xF7A, s1;
	s8 =	simm.s32 @!p0 $0x1BF5;
	p2 =	por !p2, p0  }
0x20: {  	[sflag:s8] =	ssyncset.s32 @!p0 $0xFFFFF086;
	s6 =	sadd.s32 @!p0 s3, s7;
	s7 =	simm.s32 @!p0 $0x108  }
0x21: {  	s3 =	sadd.s32 s3, s9;
	s6 =	sadd.s32 @!p0 $0x88, s6;
	s7 =	simm.s32 @p2 $0x1082  }
0x22: {  	[simem:s7], [sflag:s8] =	dma.local @!p0 [hbm:s6], $0xF7A  }
0x23: {  	s9 =	sor.u32 $0xD0000000, s2;
	s6 =	simm.s32 $0x108;
	_ =	swait.ge @!p0 [sflag:s8], $0x0  }
0x24: {  	s3 =	sadd.s32 $0x88, s3;
	s6 =	simm.s32 @!p1 $0x1082;
	[sflag:s4] =	ssyncset.s32 $0xFFFFF086  }
0x25: {  	[simem:s6], [sflag:s4] =	dma.local [hbm:s3], $0xF7A  }
0x26: {  	[smem:$0x3FA0] =	sst s1;
	(tag) =	ssettag s2;
	_ =	strace s9  }
0x27: {  	s1 =	sld [smem:$0x3FB0]  }
0x28: {  	s2 =	sld [smem:$0x3FB1]  }
0x29: {  	s4 =	sld [smem:$0x3FB3]  }
0x2a: {  	p0 =	seq.s32 s5, $0x0;
	s5 =	sld [smem:$0x3FB4]  }
0x2b: {  	s6 =	sld [smem:$0x3FB5]  }
0x2c: {  	s7 =	sld [smem:$0x3FB6]  }
0x2d: {  	s3 =	simm.s32 $0x108;
	s8 =	sld [smem:$0x3FB7]  }
0x2e: {  	s3 =	simm.s32 @!p0 $0x1082;
	s9 =	sld [smem:$0x3FB8]  }
0x2f: {  	lr =	sadd.s32 s0, s3;
	s0 =	sld [smem:$0x3FAF]  }
0x30: {  	s3 =	sld [smem:$0x3FB2]  }
0x31: {  	[smem:$0x3FBB] =	sst s10  }
0x32: {  	s10 =	sld [smem:$0x3FB9];
	_ =	sdelay $0x3  }
0x33: {  	p0 =	seq.s32 s10, $0x1;
	s10 =	sld [smem:$0x3FBB];
	_ =	sdelay $0x3  }
0x34: {  	[smem:$0x3FBB] =	sst s10  }
0x35: {  	s10 =	sld [smem:$0x3FBA];
	_ =	sdelay $0x3  }
0x36: {  	p1 =	seq.s32 s10, $0x1;
	s10 =	sld [smem:$0x3FBB];
	_ =	sdelay $0x3  }
0x37: {  	[smem:$0x3FBB] =	sst s10  }
0x38: {  	s10 =	sld [smem:$0x3FBC]  }
0x39: {  	_ = 	snop;
	(pc) =	sbr.ind lr, $3  }
0x3a: {  	_ = 	snop  }
0x3b: {  	_ = 	snop  }
0x3c: {  	p2 =	seq.s32 s10, $0x1;
	s10 =	sld [smem:$0x3FBB]  }
0x3d: {  	_ =	shalt  }
0x3e: {  	_ =	shalt  }
0x3f: {  	_ =	shalt  }
0x40: {  	_ =	shalt  }
0x41: {  	_ =	shalt  }
0x42: {  	_ =	shalt  }
0x43: {  	_ =	shalt  }
0x44: {  	_ =	shalt  }
0x45: {  	_ =	shalt  }
0x46: {  	_ =	shalt  }
0x47: {  	_ =	shalt  }
0x48: {  	_ =	shalt  }
0x49: {  	_ =	shalt  }
0x4a: {  	_ =	shalt  }
0x4b: {  	_ =	shalt  }
0x4c: {  	_ =	shalt  }
0x4d: {  	_ =	shalt  }
0x4e: {  	_ =	shalt  }
0x4f: {  	_ =	shalt  }
0x50: {  	_ =	shalt  }
0x51: {  	_ =	shalt  }
0x52: {  	_ =	shalt  }
0x53: {  	_ =	shalt  }
0x54: {  	_ =	shalt  }
0x55: {  	_ =	shalt  }
0x56: {  	_ =	shalt  }
0x57: {  	_ =	shalt  }
0x58: {  	_ =	shalt  }
0x59: {  	_ =	shalt  }
0x5a: {  	_ =	shalt  }
0x5b: {  	_ =	shalt  }
0x5c: {  	_ =	shalt  }
0x5d: {  	_ =	shalt  }
0x5e: {  	_ =	shalt  }
0x5f: {  	_ =	shalt  }
0x60: {  	_ =	shalt  }
0x61: {  	_ =	shalt  }
0x62: {  	_ =	shalt  }
0x63: {  	_ =	shalt  }
0x64: {  	_ =	shalt  }
0x65: {  	_ =	shalt  }
0x66: {  	_ =	shalt  }
0x67: {  	_ =	shalt  }
0x68: {  	_ =	shalt  }
0x69: {  	_ =	shalt  }
0x6a: {  	_ =	shalt  }
0x6b: {  	_ =	shalt  }
0x6c: {  	_ =	shalt  }
0x6d: {  	_ =	shalt  }
0x6e: {  	_ =	shalt  }
0x6f: {  	_ =	shalt  }
0x70: {  	_ =	shalt  }
0x71: {  	_ =	shalt  }
0x72: {  	_ =	shalt  }
0x73: {  	_ =	shalt  }
0x74: {  	_ =	shalt  }
0x75: {  	_ =	shalt  }
0x76: {  	_ =	shalt  }
0x77: {  	_ =	shalt  }
0x78: {  	_ =	shalt  }
0x79: {  	_ =	shalt  }
0x7a: {  	_ =	shalt  }
0x7b: {  	_ =	shalt  }
0x7c: {  	_ =	shalt  }
0x7d: {  	_ =	shalt  }
0x7e: {  	_ =	shalt  }
0x7f: {  	_ =	shalt  }
0x80: {  	_ =	shalt  }
0x81: {  	_ =	shalt  }
0x82: {  	_ =	shalt  }
0x83: {  	_ =	shalt  }
0x84: {  	_ =	shalt  }
0x85: {  	_ =	shalt  }
0x86: {  	_ =	shalt  }
0x87: {  	_ =	shalt  }
.Lfunc_end0:
.L_simem_size_0:
called_computation_lowered:
.L_overlay_start_0:
0x88: {  	s2 =	sld [smem:$0x3FD9]  }
0x89: {  	s3 =	sld [smem:$0x3FFE];
	_ =	sdelay $0x1  }
0x8a: {  	s1 =	srdreg.scid  }
0x8b: {  	s0 =	sand.u32 $0x1, s1  }
0x8c: {  	s18 =	sshll.u32 s0, $0xA;
	s2 =	sadd.s32 s3, s2  }
0x8d: {  	s2 =	sadd.s32 s2, s18  }
0x8e: {  	[smem:$0x3FC7] =	sst s2  }
0x8f: {  	_ = 	snop  }
0x90: {  	s2 =	sld [smem:$0x3FC9]  }
0x91: {  	s19 =	sld [smem:$0x3FD0];
	(tm) =	ssettm $0x1  }
0x92: {  	s4 =	sld [smem:$0x3FFB];
	_ =	sdelay $0x3  }
0x93: {  	_ =	strace s4  }
0x94: {  	s4 =	sld [smem:$0x3FFC];
	_ =	sdelay $0x3  }
0x95: {  	_ =	strace s4  }
0x96: {  	s4 =	sld [smem:$0x3FFD];
	_ =	sdelay $0x3  }
0x97: {  	_ =	strace s4  }
0x98: {  	_ =	strace $0x8FFFFFFF  }
0x99: {  	s20 =	sld [smem:$0x3FDB];
	_ =	sdelay $0x1  }
0x9a: {  	s5 =	simm.s32 $_scs_section_size  }
0x9b: {  	s6 =	simm.s32 $_size__tile_overlayer_lowered;
	s7 =	simm.s32 $_tile_overlayer_lowered  }
0x9c: {  	s23 =	simm.s32 $0x1BFF;
	s22 =	sshll.u32 s7, $0x1;
	s4 =	sadd.s32 s5, s20  }
0x9d: {  	s8 =	simm.s32 $0x0;
	s21 =	sshll.u32 s6, $0x1;
	s6 =	sadd.s32 s22, s4  }
0x9e: {  	[timem:s8], [sflag:s23] =	dma.local [hbm:s6], s21  }
0x9f: {  	_ =	swait.ge [sflag:s23], s21  }
0xa0: {  	s5 =	ssub.s32 $0x0, s21;
	[sflag:s23] =	ssyncset.done $0x0  }
0xa1: {  	[sflag:s23] =	ssyncadd.s32 s5;
	_ =	sdelay $0x1  }
0xa2: {  	s24 =	simm.s32 $0x1B8B  }
0xa3: {  	_ =	swait.ge [sflag:s24], $0x1  }
0xa4: {  	[sflag:s24] =	ssyncset.done $0x0  }
0xa5: {  	s25 =	simm.s32 $0x1B8E;
	[sflag:s24] =	ssyncadd.s32 $0xFFFFFFFF  }
0xa6: {  	s26 =	simm.s32 $execute0_lowered;
	[smem:$0x3FD2] =	sst s25  }
0xa7: {  	s5 =	sshll.u32 s26, $0x1;
	_ =	strace $0x80000046;
	[dreg:$0x1] =	wrdreg $0xFFFFFFFF  }
0xa8: {  	s28 =	simm.s32 $_size_execute0_lowered;
	s4 =	sadd.s32 s4, s5;
	[dreg:$0x0] =	wrdreg $0x0  }
0xa9: {  	s5 =	sshll.u32 s28, $0x1;
	[dreg:$0x2] =	wrdreg s4  }
0xaa: {  	[dreg:$0x3] =	wrdreg s5  }
0xab: {  	[dreg:$0x4] =	wrdreg $0xC0  }
0xac: {  	_ =	task [dreg:s8], $0x5FFFF  }
0xad: {  	[dreg:$0x1] =	wrdreg $0xFFFFFFFF  }
0xae: {  	[dreg:$0x0] =	wrdreg $0x60  }
0xaf: {  	[dreg:$0x2] =	wrdreg s2  }
0xb0: {  	[dreg:$0x3] =	wrdreg s19  }
0xb1: {  	[dreg:$0x4] =	wrdreg $0x9  }
0xb2: {  	_ =	task.clear_ibuf [dreg:s8], $0x5FFFF;
	_ =	strace $0x90000046  }
0xb3: {  	s29 =	simm.s32 $0x9;
	_ =	strace $0x80000048  }
0xb4: {  	_ =	swait.ge [sflag:s29], $0x1  }
0xb5: {  	[sflag:s29] =	ssyncadd.s32 $0xFFFFFFFF  }
0xb6: {  	_ =	strace $0x90000048  }
0xb7: {  	_ =	sfence  }
0xb8: {  	s30 =	sld [smem:$0x0];
	_ =	sdelay $0x2  }
0xb9: {  	s31 =	sshll.u32 s1, $0xD;
	s1 =	sshrl.u32 s1, $0x2  }
0xba: {  	s3 =	sand.u32 $0x4000, s31;
	s1 =	sadd.s32 s1, s30  }
0xbb: {  	s0 =	sor.u32 s3, s0;
	s1 =	sshll.u32 s1, $0x11  }
0xbc: {  	s0 =	sor.u32 s1, s0  }
0xbd: {  	s0 =	sadd.s32 $0x8F2B, s0  }
0xbe: {  	[sflag:s0] =	ssyncadd.remote.s32 $0x1  }
0xbf: {  	_ =	sfence.sel $0xFFFF  }
0xc0: {  	[dreg:$0x0] =	wrdreg $0xFFFFFFFF;
	(pc) =	sbr.abs _section_cstart, $3  }
0xc1: {  	[dreg:$0x1] =	wrdreg $0xFFFFFFFF  }
0xc2: {  	_ =	task.clear_ibuf [dreg:s8], $0x2FFFF;
	_ =	strace $0x9FFFFFFF  }
0xc3: {  	(tm) =	ssettm $0x7FFFFFFF  }
tec
execute0_lowered:
.L_overlay_start_1:
0x0: {  	(tag) =	ssettag $0x1  }
0x1: {  	s1 =	srdreg.scid  }
0x2: {  	s0 =	stileid.u32;
	s3 =	rddreg [dreg:$0x0];
	s6 =	simm.s32 $0x1  }
0x3: {  	s30 =	simm.s32 $0x100;
	s31 =	simm.s32 $0x180;
	s10 =	simm.s32 $0x2  }
0x4: {  	s5 =	sand.u32 $0x1, s1;
	[dreg:$0x3] =	wrdreg s3;
	s3 =	simm.s32 $0x0  }
0x5: {  	s2 =	sshll.u32 s0, $0x2;
	s1 =	sshll.u32 s5, $0x6;
	[smem:$0x7FF] =	sst s3  }
0x6: {  	s25 =	sand.u32 $0x3, s0;
	s4 =	sor.u32 s2, s1;
	s2 =	rddreg [dreg:$0x1]  }
0x7: {  	p1 =	sne.s32 s25, $0x0;
	s5 =	ssub.s32 $0x2, s5;
	s1 =	rddreg [dreg:$0x2]  }
0x8: {  	_ =	strace $0x80000047;
	s8 =	sshrl.u32 s5, $0x1;
	p0 =	seq.s32 s4, $0x0  }
0x9: {  	[dreg:$0x6] =	wrdreg s30;
	s28 =	ssub.s32 s5, s8;
	p0 =	por !p1, !p0  }
0xa: {  	[dreg:$0x7] =	wrdreg s31;
	s11 =	smax.u32 s28, $0x1;
	p0 =	por !p0, !p0  }
0xb: {  	s7 =	sshrl.u32 s4, $0x4;
	p1 =	sne.s32 s11, $0x1;
	s6 =	simm.s32 @!p0 $0x0  }
.Ltmp0:
0xc: {  	s5 =	simm.s32 $0x1;
	s6 =	ssub.s32 s7, s6;
	(pc) =	sbr.rel @!p1 .LBB2_3-.Ltmp0, $4  }
0xd: {  	s8 =	simm.s32 $0x200;
	s12 =	rddreg [dreg:$0x3];
	s7 =	sshll.u32 s6, $0x7  }
0xe: {  	s11 =	sadd.s32 $0xFFFFFFFF, s11;
	s9 =	sshll.u32 s6, $0x4;
	s26 =	sand.u32 $0xFFFFFC00, s7  }
0xf: {  	p0 =	por $0x0, $0x0;
	s29 =	sand.u32 $0x70, s9;
	[dreg:$0x4] =	wrdreg s26  }
0x10: {  	v0 =	vimm.s32 $0x0;
	s6 =	sand.u32 $0x70, s4;
	s7 =	simm.s32 $0x280;
	[dreg:$0x5] =	wrdreg s29  }
0x11: {  	[tilespmem:s3], [sflag:$0x2] =	stream.linear.gather [hbm4b:s12+s3], $0x80, $0x38;
	[tilespmem:$0x300] =	vst v63  }
0x12: {  	_ =	swait.ge [sflag:s10], $0x80  }
0x13: {  	[sflag:s10] =	ssyncset.done $0x0  }
0x14: {  	[sflag:s10] =	ssyncadd.s32 $0xFFFFFF80  }
0x15: {  	v1 =	vld [tilespmem:s4+$0x0];
	_ =	sdelay $0x4  }
0x16: {  	(v2sf) =	vpush v1, $0x0;
	_ =	sdelay $0xe  }
0x17: {  	v2 =	vld [tilespmem:s9+$0x0];
	s13 =	spop (v2sf)  }
0x18: {  	s13 =	sshll.u32 s13, $0x7  }
0x19: {  	s25 =	rddreg [dreg:$0x4];
	s14 =	sand.u32 $0xFFFFFC00, s13  }
0x1a: {  	v1 =	vbroadcast v1, $0x0;
	s13 =	sand.u32 $0x380, s13;
	s12 =	sadd.s32 s25, s14  }
0x1b: {  	s15 =	rddreg [dreg:$0x5];
	s12 =	sor.u32 s13, s12  }
0x1c: {  	vm0 =	veq.s32 v2, v1;
	s12 =	sor.u32 s15, s12  }
0x1d: {  	v1 =	vsel vm0, $0x3F800000, v0;
	s12 =	sshrl.u32 s12, $0x3  }
0x1e: {  	s26 =	rddreg [dreg:$0x6];
	[tilespmem:$0x100] =	vst v1;
	s12 =	sadd.s32 s2, s12  }
0x1f: {  	[hbm4b:s12+s3] =	stream.linear.scatter [tilespmem:s26], [sflag:$0x1], $0x10, $0x38;
	[tilespmem:$0x300] =	vst v63  }
0x20: {  	v1 =	vld [tilespmem:s4+$0x1];
	_ =	sdelay $0x4  }
0x21: {  	(v2sf) =	vpush v1, $0x0;
	_ =	sdelay $0xb  }
0x22: {  	v2 =	vld [tilespmem:s6+$0x0];
	_ =	sdelay $0x2  }
0x23: {  	v1 =	vbroadcast v1, $0x0;
	s28 =	spop (v2sf)  }
0x24: {  	s12 =	sshll.u32 s28, $0x7  }
0x25: {  	vm13 =	veq.s32 v2, v1;
	s12 =	sor.u32 s6, s12  }
0x26: {  	v1 =	vsel vm13, $0x3F800000, v0;
	s12 =	sshrl.u32 s12, $0x3  }
0x27: {  	s29 =	rddreg [dreg:$0x7];
	[tilespmem:$0x180] =	vst v1;
	s12 =	sadd.s32 s2, s12  }
0x28: {  	[hbm4b:s12+s3] =	stream.linear.scatter [tilespmem:s29], [sflag:$0x1], $0x10, $0x38;
	[tilespmem:$0x300] =	vst v63  }
0x29: {  	v1 =	vld [tilespmem:s4+$0x2];
	_ =	sdelay $0x4  }
0x2a: {  	(v2sf) =	vpush v1, $0x0;
	_ =	sdelay $0xb  }
0x2b: {  	v2 =	vld [tilespmem:s6+$0x0];
	_ =	sdelay $0x2  }
0x2c: {  	v1 =	vbroadcast v1, $0x0;
	s30 =	spop (v2sf)  }
0x2d: {  	s12 =	sshll.u32 s30, $0x7  }
0x2e: {  	vm14 =	veq.s32 v2, v1;
	s12 =	sor.u32 s6, s12  }
0x2f: {  	v1 =	vsel vm14, $0x3F800000, v0;
	s12 =	sshrl.u32 s12, $0x3  }
0x30: {  	[tilespmem:$0x200] =	vst v1;
	s12 =	sadd.s32 s2, s12  }
0x31: {  	[hbm4b:s12+s3] =	stream.linear.scatter [tilespmem:s8], [sflag:$0x1], $0x10, $0x38;
	[tilespmem:$0x300] =	vst v63  }
0x32: {  	v1 =	vld [tilespmem:s4+$0x3];
	_ =	sdelay $0x4  }
0x33: {  	(v2sf) =	vpush v1, $0x0;
	_ =	sdelay $0xb  }
0x34: {  	v2 =	vld [tilespmem:s6+$0x0];
	_ =	sdelay $0x2  }
0x35: {  	v1 =	vbroadcast v1, $0x0;
	s31 =	spop (v2sf)  }
0x36: {  	s12 =	sshll.u32 s31, $0x7  }
0x37: {  	vm15 =	veq.s32 v2, v1;
	s12 =	sor.u32 s6, s12  }
0x38: {  	v1 =	vsel vm15, $0x3F800000, v0;
	s12 =	sshrl.u32 s12, $0x3  }
0x39: {  	[tilespmem:$0x280] =	vst v1;
	s12 =	sadd.s32 s2, s12  }
0x3a: {  	[hbm4b:s12+s3] =	stream.linear.scatter [tilespmem:s7], [sflag:$0x1], $0x10, $0x38;
	[tilespmem:$0x300] =	vst v63  }
0x3b: {  	_ =	swait.ge [sflag:s5], $0x10  }
0x3c: {  	[sflag:s5] =	ssyncset.done $0x0  }
0x3d: {  	[sflag:s5] =	ssyncadd.s32 $0xFFFFFFF0  }
0x3e: {  	_ =	swait.ge [sflag:s5], $0x10  }
0x3f: {  	[sflag:s5] =	ssyncset.done $0x0  }
0x40: {  	p1 =	sne.s32 s11, $0x1;
	[sflag:s5] =	ssyncadd.s32 $0xFFFFFFF0  }
.Ltmp1:
0x41: {  	_ =	swait.ge [sflag:s5], $0x10;
	(pc) =	sbr.rel @!p1 .LBB2_3-.Ltmp1, $4  }
0x42: {  	[sflag:s5] =	ssyncset.done $0x0  }
0x43: {  	[sflag:s5] =	ssyncadd.s32 $0xFFFFFFF0  }
0x44: {  	s11 =	sadd.s32 $0xFFFFFFFF, s11;
	_ =	swait.ge [sflag:s5], $0x10  }
0x45: {  	p0 =	por $0x1, $0x1;
	s12 =	rddreg [dreg:$0x3];
	[sflag:s5] =	ssyncset.done $0x0  }
.LBB2_2:
0x46: {  	[sflag:s5] =	ssyncadd.s32 $0xFFFFFFF0  }
0x47: {  	[tilespmem:s3], [sflag:$0x2] =	stream.linear.gather [hbm4b:s12+s3], $0x80, $0x38;
	[tilespmem:$0x300] =	vst v63  }
0x48: {  	_ =	swait.ge [sflag:s10], $0x80  }
0x49: {  	[sflag:s10] =	ssyncset.done $0x0  }
0x4a: {  	[sflag:s10] =	ssyncadd.s32 $0xFFFFFF80  }
0x4b: {  	v1 =	vld [tilespmem:s4+$0x0];
	_ =	sdelay $0x4  }
0x4c: {  	(v2sf) =	vpush v1, $0x0;
	_ =	sdelay $0xe  }
0x4d: {  	v2 =	vld [tilespmem:s9+$0x0];
	s13 =	spop (v2sf)  }
0x4e: {  	s13 =	sshll.u32 s13, $0x7  }
0x4f: {  	s25 =	rddreg [dreg:$0x4];
	s14 =	sand.u32 $0xFFFFFC00, s13  }
0x50: {  	v3 =	vbroadcast v1, $0x0;
	s13 =	sand.u32 $0x380, s13;
	s12 =	sadd.s32 s25, s14  }
0x51: {  	s15 =	rddreg [dreg:$0x5];
	s12 =	sor.u32 s13, s12  }
0x52: {  	vm0 =	veq.s32 v2, v3;
	s12 =	sor.u32 s15, s12  }
0x53: {  	v1 =	vsel vm0, $0x3F800000, v0;
	s12 =	sshrl.u32 s12, $0x3  }
0x54: {  	s26 =	rddreg [dreg:$0x6];
	[tilespmem:$0x100] =	vst v1;
	s12 =	sadd.s32 s2, s12  }
0x55: {  	[hbm4b:s12+s3] =	stream.linear.scatter [tilespmem:s26], [sflag:$0x1], $0x10, $0x38;
	[tilespmem:$0x300] =	vst v63  }
0x56: {  	v1 =	vld [tilespmem:s4+$0x1];
	_ =	sdelay $0x4  }
0x57: {  	(v2sf) =	vpush v1, $0x0;
	_ =	sdelay $0xb  }
0x58: {  	v2 =	vld [tilespmem:s6+$0x0];
	_ =	sdelay $0x2  }
0x59: {  	v3 =	vbroadcast v1, $0x0;
	s28 =	spop (v2sf)  }
0x5a: {  	s12 =	sshll.u32 s28, $0x7  }
0x5b: {  	vm13 =	veq.s32 v2, v3;
	s12 =	sor.u32 s6, s12  }
0x5c: {  	v1 =	vsel vm13, $0x3F800000, v0;
	s12 =	sshrl.u32 s12, $0x3  }
0x5d: {  	s29 =	rddreg [dreg:$0x7];
	[tilespmem:$0x180] =	vst v1;
	s12 =	sadd.s32 s2, s12  }
0x5e: {  	[hbm4b:s12+s3] =	stream.linear.scatter [tilespmem:s29], [sflag:$0x1], $0x10, $0x38;
	[tilespmem:$0x300] =	vst v63  }
0x5f: {  	v1 =	vld [tilespmem:s4+$0x2];
	_ =	sdelay $0x4  }
0x60: {  	(v2sf) =	vpush v1, $0x0;
	_ =	sdelay $0xb  }
0x61: {  	v2 =	vld [tilespmem:s6+$0x0];
	_ =	sdelay $0x2  }
0x62: {  	v3 =	vbroadcast v1, $0x0;
	s30 =	spop (v2sf)  }
0x63: {  	s12 =	sshll.u32 s30, $0x7  }
0x64: {  	vm14 =	veq.s32 v2, v3;
	s12 =	sor.u32 s6, s12  }
0x65: {  	v1 =	vsel vm14, $0x3F800000, v0;
	s12 =	sshrl.u32 s12, $0x3  }
0x66: {  	[tilespmem:$0x200] =	vst v1;
	s12 =	sadd.s32 s2, s12  }
0x67: {  	[hbm4b:s12+s3] =	stream.linear.scatter [tilespmem:s8], [sflag:$0x1], $0x10, $0x38;
	[tilespmem:$0x300] =	vst v63  }
0x68: {  	v1 =	vld [tilespmem:s4+$0x3];
	_ =	sdelay $0x4  }
0x69: {  	(v2sf) =	vpush v1, $0x0;
	_ =	sdelay $0xb  }
0x6a: {  	v2 =	vld [tilespmem:s6+$0x0];
	_ =	sdelay $0x2  }
0x6b: {  	v3 =	vbroadcast v1, $0x0;
	s31 =	spop (v2sf)  }
0x6c: {  	s12 =	sshll.u32 s31, $0x7  }
0x6d: {  	vm15 =	veq.s32 v2, v3;
	s12 =	sor.u32 s6, s12  }
0x6e: {  	v1 =	vsel vm15, $0x3F800000, v0;
	s12 =	sshrl.u32 s12, $0x3  }
0x6f: {  	[tilespmem:$0x280] =	vst v1;
	s12 =	sadd.s32 s2, s12  }
0x70: {  	[hbm4b:s12+s3] =	stream.linear.scatter [tilespmem:s7], [sflag:$0x1], $0x10, $0x38;
	[tilespmem:$0x300] =	vst v63  }
0x71: {  	_ =	swait.ge [sflag:s5], $0x10  }
0x72: {  	[sflag:s5] =	ssyncset.done $0x0  }
0x73: {  	[sflag:s5] =	ssyncadd.s32 $0xFFFFFFF0  }
0x74: {  	_ =	swait.ge [sflag:s5], $0x10  }
0x75: {  	[sflag:s5] =	ssyncset.done $0x0  }
0x76: {  	p1 =	sne.s32 s11, $0x1;
	[sflag:s5] =	ssyncadd.s32 $0xFFFFFFF0  }
.Ltmp2:
0x77: {  	_ =	swait.ge [sflag:s5], $0x10;
	(pc) =	sbr.rel @p1 .LBB2_2-.Ltmp2, $4  }
0x78: {  	[sflag:s5] =	ssyncset.done $0x0  }
0x79: {  	[sflag:s5] =	ssyncadd.s32 $0xFFFFFFF0  }
0x7a: {  	_ =	swait.ge [sflag:s5], $0x10  }
0x7b: {  	s11 =	sadd.s32 $0xFFFFFFFF, s11;
	s12 =	rddreg [dreg:$0x3];
	[sflag:s5] =	ssyncset.done $0x0  }
.LBB2_3:
0x7c: {  	[sflag:s5] =	ssyncadd.s32 @p0 $0xFFFFFFF0  }
0x7d: {  	[tilespmem:s3], [sflag:$0x2] =	stream.linear.gather [hbm4b:s12+s3], $0x80, $0x38;
	[tilespmem:$0x300] =	vst v63  }
0x7e: {  	_ =	swait.ge [sflag:s10], $0x80  }
0x7f: {  	[sflag:s10] =	ssyncset.done $0x0  }
0x80: {  	[sflag:s10] =	ssyncadd.s32 $0xFFFFFF80  }
0x81: {  	v1 =	vld [tilespmem:s4+$0x0];
	_ =	sdelay $0x4  }
0x82: {  	(v2sf) =	vpush v1, $0x0;
	_ =	sdelay $0xe  }
0x83: {  	v2 =	vld [tilespmem:s9+$0x0];
	s23 =	spop (v2sf)  }
0x84: {  	s10 =	sshll.u32 s23, $0x7  }
0x85: {  	s22 =	rddreg [dreg:$0x4];
	s11 =	sand.u32 $0xFFFFFC00, s10  }
0x86: {  	v1 =	vbroadcast v1, $0x0;
	s10 =	sand.u32 $0x380, s10;
	s9 =	sadd.s32 s22, s11  }
0x87: {  	s24 =	rddreg [dreg:$0x5];
	s9 =	sor.u32 s10, s9  }
0x88: {  	vm0 =	veq.s32 v2, v1;
	s9 =	sor.u32 s24, s9  }
0x89: {  	v1 =	vsel vm0, $0x3F800000, v0;
	s9 =	sshrl.u32 s9, $0x3  }
0x8a: {  	s25 =	rddreg [dreg:$0x6];
	[tilespmem:$0x100] =	vst v1;
	s9 =	sadd.s32 s2, s9  }
0x8b: {  	[hbm4b:s9+s3] =	stream.linear.scatter [tilespmem:s25], [sflag:$0x1], $0x10, $0x38;
	[tilespmem:$0x300] =	vst v63  }
0x8c: {  	v1 =	vld [tilespmem:s4+$0x1];
	_ =	sdelay $0x4  }
0x8d: {  	(v2sf) =	vpush v1, $0x0;
	_ =	sdelay $0xb  }
0x8e: {  	v60 =	vld [tilespmem:s6+$0x0];
	_ =	sdelay $0x2  }
0x8f: {  	v1 =	vbroadcast v1, $0x0;
	s26 =	spop (v2sf)  }
0x90: {  	s9 =	sshll.u32 s26, $0x7  }
0x91: {  	vm13 =	veq.s32 v60, v1;
	s9 =	sor.u32 s6, s9  }
0x92: {  	v1 =	vsel vm13, $0x3F800000, v0;
	s9 =	sshrl.u32 s9, $0x3  }
0x93: {  	s28 =	rddreg [dreg:$0x7];
	[tilespmem:$0x180] =	vst v1;
	s9 =	sadd.s32 s2, s9  }
0x94: {  	[hbm4b:s9+s3] =	stream.linear.scatter [tilespmem:s28], [sflag:$0x1], $0x10, $0x38;
	[tilespmem:$0x300] =	vst v63  }
0x95: {  	v1 =	vld [tilespmem:s4+$0x2];
	_ =	sdelay $0x4  }
0x96: {  	(v2sf) =	vpush v1, $0x0;
	_ =	sdelay $0xb  }
0x97: {  	v61 =	vld [tilespmem:s6+$0x0];
	_ =	sdelay $0x2  }
0x98: {  	v1 =	vbroadcast v1, $0x0;
	s29 =	spop (v2sf)  }
0x99: {  	s9 =	sshll.u32 s29, $0x7  }
0x9a: {  	vm14 =	veq.s32 v61, v1;
	s9 =	sor.u32 s6, s9  }
0x9b: {  	v1 =	vsel vm14, $0x3F800000, v0;
	s9 =	sshrl.u32 s9, $0x3  }
0x9c: {  	[tilespmem:$0x200] =	vst v1;
	s9 =	sadd.s32 s2, s9  }
0x9d: {  	[hbm4b:s9+s3] =	stream.linear.scatter [tilespmem:s8], [sflag:$0x1], $0x10, $0x38;
	[tilespmem:$0x300] =	vst v63  }
0x9e: {  	v1 =	vld [tilespmem:s4+$0x3];
	_ =	sdelay $0x4  }
0x9f: {  	(v2sf) =	vpush v1, $0x0;
	_ =	sdelay $0xb  }
0xa0: {  	v62 =	vld [tilespmem:s6+$0x0];
	_ =	sdelay $0x2  }
0xa1: {  	v1 =	vbroadcast v1, $0x0;
	s30 =	spop (v2sf)  }
0xa2: {  	s4 =	sshll.u32 s30, $0x7  }
0xa3: {  	vm15 =	veq.s32 v62, v1;
	s4 =	sor.u32 s6, s4  }
0xa4: {  	v63 =	vsel vm15, $0x3F800000, v0;
	s4 =	sshrl.u32 s4, $0x3  }
0xa5: {  	[tilespmem:$0x280] =	vst v63;
	s31 =	sadd.s32 s2, s4  }
0xa6: {  	[hbm4b:s31+s3] =	stream.linear.scatter [tilespmem:s7], [sflag:$0x1], $0x10, $0x38;
	[tilespmem:$0x300] =	vst v63  }
0xa7: {  	_ =	swait.ge [sflag:s5], $0x10  }
0xa8: {  	[sflag:s5] =	ssyncset.done $0x0  }
0xa9: {  	[sflag:s5] =	ssyncadd.s32 $0xFFFFFFF0  }
0xaa: {  	_ =	swait.ge [sflag:s5], $0x10  }
0xab: {  	[sflag:s5] =	ssyncset.done $0x0  }
0xac: {  	[sflag:s5] =	ssyncadd.s32 $0xFFFFFFF0  }
0xad: {  	_ =	swait.ge [sflag:s5], $0x10  }
0xae: {  	[sflag:s5] =	ssyncset.done $0x0  }
0xaf: {  	[sflag:s5] =	ssyncadd.s32 $0xFFFFFFF0  }
0xb0: {  	_ =	swait.ge [sflag:s5], $0x10  }
0xb1: {  	[sflag:s5] =	ssyncset.done $0x0  }
0xb2: {  	[sflag:s5] =	ssyncadd.s32 $0xFFFFFFF0  }
0xb3: {  	_ =	sfence.sel $0x180000  }
0xb4: {  	[bflag:$0x0] =	sbarrier.arrive $0xFFFF  }
0xb5: {  	p0 =	sne.s32 s0, $0x0;
	_ =	strace $0x90000047  }
0xb6: {  	s0 =	sadd.s32 @!p0 $0x100000, s1;
	[bflag:$0x2] =	sbarrier.arrive $0xFFFF  }
0xb7: {  	[sflag:s0] =	ssyncadd.tile.s32 @!p0 $0x1;
	_ =	shalt  }
.Lfunc_end2:
_tile_overlayer_lowered:
.L_overlay_start_2:
0xb8: {  	(tag) =	ssettag $0x2  }
0xb9: {  	s0 =	rddreg [dreg:$0x0];
	s2 =	stileid.u32  }
0xba: {  	s1 =	rddreg [dreg:$0x1];
	p0 =	sne.s32 s2, $0x0  }
0xbb: {  	s3 =	rddreg [dreg:$0x2];
	[bflag:$0x3] =	sbarrier.arrive $0xFFFF;
	s2 =	simm.s32 @!p0 $0x1C02  }
0xbc: {  	[timem:s3], [sflag:s2] =	dma.local @!p0 [hbm:s0], s1  }
0xbd: {  	s0 =	simm.s32 @!p0 $0x2  }
0xbe: {  	_ =	swait.ge @!p0 [sflag:s0], s1  }
0xbf: {  	s1 =	ssub.s32 @!p0 $0x0, s1;
	[sflag:s0] =	ssyncset.done @!p0 $0x0  }
0xc0: {  	[sflag:s0] =	ssyncadd.s32 @!p0 s1  }
0xc1: {  	[bflag:$0x3] =	sbarrier.arrive $0xFFFF  }
0xc2: {  	_ =	shalt  }

</sc_bundles>
